<compile_context>
chip_gen: v7x
topology: tpu7x:2x2x1
jax: 0.10.2.dev20260603
libtpu: 0.0.44.dev20260713+nightly
codegen_flags: <defaults>
</compile_context>

<pallas_src>
import functools

import jax
import jax.numpy as jnp
from jax import lax
from jax.experimental import pallas as pl
from jax.experimental.pallas import tpu as pltpu
from jax.experimental.pallas import tpu_sc as plsc

_THRESH = 0.3
_IGNORE = 255
_K = 131072
_C = 19
_BN, _H, _W = 8, 512, 512
_NPIX = _BN * _H * _W

_BH = 128

_NC, _NS, _L = 2, 16, 16
_NW = _NC * _NS
_PER_W = _NPIX // _NW
_CHUNK = 8192
_NCHUNK = _PER_W // _CHUNK

_HB = 512
_SCALE = _HB / _THRESH


def _ce_stage1(logits_ref, labels_ref, loss_ref, cnt_ref, summask_ref):
    x = logits_ref[0]
    lbl = labels_ref[0]
    m = jnp.max(x, axis=0)
    lse = jnp.log(jnp.sum(jnp.exp(x - m[None]), axis=0)) + m
    cls = lax.broadcasted_iota(jnp.int32, x.shape, 0)
    picked = jnp.sum(jnp.where(cls == lbl[None], x, 0.0), axis=0)
    loss = jnp.where(lbl != _IGNORE, lse - picked, 0.0)
    loss_ref[0] = loss

    msk = loss > _THRESH
    bc = jnp.sum(msk.astype(jnp.float32))
    bs = jnp.sum(jnp.where(msk, loss, 0.0))

    @pl.when((pl.program_id(0) == 0) & (pl.program_id(1) == 0))
    def _init():
        cnt_ref[0, 0] = 0.0
        summask_ref[0, 0] = 0.0

    cnt_ref[0, 0] += bc
    summask_ref[0, 0] += bs


def _stage1(logits, labels):
    return pl.pallas_call(
        _ce_stage1,
        grid=(_BN, _H // _BH),
        in_specs=[
            pl.BlockSpec((1, _C, _BH, _W), lambda i, j: (i, 0, j, 0)),
            pl.BlockSpec((1, _BH, _W), lambda i, j: (i, j, 0)),
        ],
        out_specs=[
            pl.BlockSpec((1, _BH, _W), lambda i, j: (i, j, 0)),
            pl.BlockSpec(memory_space=pltpu.SMEM),
            pl.BlockSpec(memory_space=pltpu.SMEM),
        ],
        out_shape=[
            jax.ShapeDtypeStruct((_BN, _H, _W), jnp.float32),
            jax.ShapeDtypeStruct((1, 1), jnp.float32),
            jax.ShapeDtypeStruct((1, 1), jnp.float32),
        ],
    )(logits, labels)


def _sc_hist(flat_losses):
    mesh = plsc.VectorSubcoreMesh(core_axis_name="c", subcore_axis_name="s")

    @functools.partial(
        pl.kernel,
        mesh=mesh,
        compiler_params=pltpu.CompilerParams(needs_layout_passes=False),
        out_type=jax.ShapeDtypeStruct((_NW, 2 * _HB), jnp.float32),
        scratch_types=[
            pltpu.VMEM((_CHUNK,), jnp.float32),
            pltpu.VMEM((_L * _HB,), jnp.float32),
            pltpu.VMEM((_L * _HB,), jnp.float32),
            pltpu.VMEM((2 * _HB,), jnp.float32),
        ],
    )
    def hist_kernel(loss_hbm, out_hbm, chunk_v, hcnt_v, hsum_v, outrow_v):
        wid = lax.axis_index("s") * _NC + lax.axis_index("c")
        lane = lax.iota(jnp.int32, 16)
        ones = jnp.ones((_L,), jnp.float32)
        zeros = jnp.zeros((_L,), jnp.float32)

        def zero_body(i, carry):
            hcnt_v[pl.ds(i * _L, _L)] = zeros
            hsum_v[pl.ds(i * _L, _L)] = zeros
            return carry

        lax.fori_loop(0, _HB, zero_body, 0)

        base = wid * _PER_W

        def chunk_body(c, carry):
            pltpu.sync_copy(loss_hbm.at[pl.ds(base + c * _CHUNK, _CHUNK)],
                            chunk_v)

            def vec_body(i, carry2):
                v = chunk_v[pl.ds(i * _L, _L)]
                msk = v <= _THRESH
                idx = jnp.clip((jnp.minimum(v, _THRESH) * _SCALE)
                               .astype(jnp.int32), 0, _HB - 1)
                fidx = lane * _HB + idx
                plsc.addupdate_scatter(hcnt_v, [fidx], ones, mask=msk)
                plsc.addupdate_scatter(hsum_v, [fidx], v, mask=msk)
                return carry2

            lax.fori_loop(0, _CHUNK // _L, vec_body, 0)
            return carry

        lax.fori_loop(0, _NCHUNK, chunk_body, 0)

        def red_body(c, carry):
            acc_c = zeros
            acc_s = zeros
            for r in range(_L):
                acc_c = acc_c + hcnt_v[pl.ds(r * _HB + c * _L, _L)]
                acc_s = acc_s + hsum_v[pl.ds(r * _HB + c * _L, _L)]
            outrow_v[pl.ds(c * _L, _L)] = acc_c
            outrow_v[pl.ds(_HB + c * _L, _L)] = acc_s
            return carry

        lax.fori_loop(0, _HB // _L, red_body, 0)
        pltpu.sync_copy(outrow_v, out_hbm.at[wid])

    return hist_kernel(flat_losses)


def _combine(cnt, summask, hcnt, hsum):
    rc_cnt = hcnt[::-1]
    rc_sum = hsum[::-1]
    cum_c = jnp.cumsum(rc_cnt)
    prev_c = cum_c - rc_cnt
    need = jnp.maximum(_K - cnt, 0.0)
    take = jnp.clip(need - prev_c, 0.0, rc_cnt)
    mean_b = rc_sum / jnp.maximum(rc_cnt, 1.0)
    contrib = jnp.where(take >= rc_cnt, rc_sum, take * mean_b)
    topk_mean = (summask + jnp.sum(contrib)) / _K
    masked_mean = summask / jnp.maximum(cnt, 1.0)
    return jnp.where(cnt > _K, masked_mean, topk_mean)


def kernel(logits, labels):
    losses, cnt, summask = _stage1(logits, labels)
    cnt = cnt[0, 0]
    summask = summask[0, 0]
    rows = _sc_hist(losses.reshape(-1))
    hist = rows.reshape(_NW, 2, _HB).sum(axis=0)
    return _combine(cnt, summask, hist[0], hist[1])

# --- scband reference (transcript-rebuilt; emitter-appended) ---
"""Pipeline reference for scband-bootstrapped-celoss-32341103738977 (READ-ONLY COPY).

The authoritative reference and input builder live on the scoring server;
editing this copy changes nothing except your own understanding.
"""

import jax, jax.numpy as jnp
import numpy as np

THRESH = 0.3
IGNORE = 255
K = int(8 * 512 * 512 / 16)  # 131072
NUM_CLASSES = 19


def setup_inputs(seed: int = 0) -> dict:
    key = jax.random.key(seed)
    k1, k2 = jax.random.split(key)
    logits = jax.random.normal(k1, (8, NUM_CLASSES, 512, 512), dtype=jnp.float32)
    labels = jax.random.randint(k2, (8, 512, 512), 0, NUM_CLASSES, dtype=jnp.int32)
    return {"logits": logits, "labels": labels}


def _pixel_ce(logits, labels):
    # CrossEntropyLoss(ignore_index=IGNORE, reduction='none')
    lp = jax.nn.log_softmax(logits, axis=1)
    safe_lbl = jnp.clip(labels, 0, NUM_CLASSES - 1)
    nll = -jnp.take_along_axis(lp, safe_lbl[:, None, :, :], axis=1)[:, 0]
    valid = labels != IGNORE
    return jnp.where(valid, nll, 0.0).reshape(-1)


def reference(logits, labels):
    pixel_losses = _pixel_ce(logits, labels)
    mask = pixel_losses > THRESH
    cnt = jnp.sum(mask)
    masked_mean = jnp.sum(jnp.where(mask, pixel_losses, 0.0)) / jnp.maximum(cnt, 1).astype(jnp.float32)
    vals, _ = jax.lax.top_k(pixel_losses, K)
    topk_mean = jnp.mean(vals)
    return jnp.where(cnt > K, masked_mean, topk_mean)

if __name__ == "__main__":
    import jax
    _d = setup_inputs()
    print(jax.jit(kernel)(*tuple(_d.values())))

</pallas_src>

<mosaic_0001>
#map = affine_map<(d0, d1) -> (0)>
#map1 = affine_map<(d0, d1) -> (0, 0)>
module attributes {stable_mosaic.version = 14 : i64} {
  func.func @hist_kernel(%arg0: i32, %arg1: i32, %arg2: memref<2097152xf32, #tpu.memory_space<hbm>>, %arg3: memref<32x1024xf32, #tpu.memory_space<hbm>>, %arg4: memref<8192xf32, #tpu.memory_space<vmem>>, %arg5: memref<8192xf32, #tpu.memory_space<vmem>>, %arg6: memref<8192xf32, #tpu.memory_space<vmem>>, %arg7: memref<1024xf32, #tpu.memory_space<vmem>>) attributes {dimension_semantics = [#tpu.dimension_semantics<core_parallel>, #tpu.dimension_semantics<subcore_parallel>], iteration_bounds = array<i64: 2, 16>, scalar_prefetch = 0 : i64, scratch_operands = 4 : i64, tpu.core_type = #tpu.core_type<sc_vector_subcore>, window_params = [{transform_indices = #map}, {transform_indices = #map1}]} {
    %mul3A = arith.constant 2 : i32
    %mul3A_0 = arith.muli %arg1, %mul3A : i32
    %add3A = arith.addi %mul3A_0, %arg0 : i32
    %iota3A = tpu.iota {dimensions = array<i32: 0>} : vector<16xi32>
    %broadcast_in_dim3A = arith.constant 1.000000e+00 : f32
    %broadcast_in_dim3A_1 = vector.broadcast %broadcast_in_dim3A : f32 to vector<16xf32>
    %broadcast_in_dim3A_2 = arith.constant 0.000000e+00 : f32
    %broadcast_in_dim3A_3 = vector.broadcast %broadcast_in_dim3A_2 : f32 to vector<16xf32>
    %scan3A = arith.constant 0 : i32
    %scan3A_4 = arith.constant 0 : i32
    %scan3A_5 = arith.constant 512 : i32
    %scan3A_6 = arith.addi %scan3A_4, %scan3A_5 : i32
    %scan3A_7 = arith.constant 1 : i32
    scf.for %scan3A_23 = %scan3A_4 to %scan3A_6 step %scan3A_7  : i32 {
      %mul3A_24 = arith.constant 16 : i32
      %mul3A_25 = arith.muli %scan3A_23, %mul3A_24 : i32
      %swap3A = arith.index_cast %mul3A_25 : i32 to index
      %swap3A_26 = tpu.vector_load %arg5[%swap3A] {strides = array<i32>} : memref<8192xf32, #tpu.memory_space<vmem>>, vector<16xf32>,
      tpu.vector_store %arg5[%swap3A], %broadcast_in_dim3A_3 {strides = array<i32>} : memref<8192xf32, #tpu.memory_space<vmem>>, vector<16xf32>,
      %mul3A_27 = arith.constant 16 : i32
      %mul3A_28 = arith.muli %scan3A_23, %mul3A_27 : i32
      %swap3A_29 = arith.index_cast %mul3A_28 : i32 to index
      %swap3A_30 = tpu.vector_load %arg6[%swap3A_29] {strides = array<i32>} : memref<8192xf32, #tpu.memory_space<vmem>>, vector<16xf32>,
      tpu.vector_store %arg6[%swap3A_29], %broadcast_in_dim3A_3 {strides = array<i32>} : memref<8192xf32, #tpu.memory_space<vmem>>, vector<16xf32>,
    }
    %scan3A_8 = arith.constant 512 : i32
    %mul3A_9 = arith.constant 65536 : i32
    %mul3A_10 = arith.muli %add3A, %mul3A_9 : i32
    %scan3A_11 = arith.constant 0 : i32
    %scan3A_12 = arith.constant 0 : i32
    %scan3A_13 = arith.constant 8 : i32
    %scan3A_14 = arith.addi %scan3A_12, %scan3A_13 : i32
    %scan3A_15 = arith.constant 1 : i32
    scf.for %scan3A_23 = %scan3A_12 to %scan3A_14 step %scan3A_15  : i32 {
      %mul3A_24 = arith.constant 8192 : i32
      %mul3A_25 = arith.muli %scan3A_23, %mul3A_24 : i32
      %add3A_26 = arith.addi %mul3A_10, %mul3A_25 : i32
      "tpu.region"() ({
        %run_scoped3A = tpu.sem_alloc : memref<!tpu.dma_semaphore, #tpu.memory_space<semaphore_mem>>
        %dma_start3A = tpu.memref_slice %arg2[%add3A_26] : memref<2097152xf32, #tpu.memory_space<hbm>> -> memref<8192xf32, #tpu.memory_space<hbm>>
        %dma_start3A_33 = tpu.memref_slice %arg2[%add3A_26] : memref<2097152xf32, #tpu.memory_space<hbm>> -> memref<8192xf32, #tpu.memory_space<hbm>>
        tpu.enqueue_dma source(%dma_start3A_33 : memref<8192xf32, #tpu.memory_space<hbm>>) target(%arg4 : memref<8192xf32, #tpu.memory_space<vmem>>) target_semaphore(%run_scoped3A : memref<!tpu.dma_semaphore, #tpu.memory_space<semaphore_mem>>)
        %dma_wait3A = tpu.memref_slice %arg2[%add3A_26] : memref<2097152xf32, #tpu.memory_space<hbm>> -> memref<8192xf32, #tpu.memory_space<hbm>>
        %dma_wait3A_34 = tpu.memref_slice %arg2[%add3A_26] : memref<2097152xf32, #tpu.memory_space<hbm>> -> memref<8192xf32, #tpu.memory_space<hbm>>
        tpu.wait_dma2 semaphore(%run_scoped3A : memref<!tpu.dma_semaphore, #tpu.memory_space<semaphore_mem>>) src(%dma_wait3A_34 : memref<8192xf32, #tpu.memory_space<hbm>>) dst(%arg4 : memref<8192xf32, #tpu.memory_space<vmem>>)
        tpu.yield
      }) : () -> ()
      %scan3A_27 = arith.constant 0 : i32
      %scan3A_28 = arith.constant 0 : i32
      %scan3A_29 = arith.constant 512 : i32
      %scan3A_30 = arith.addi %scan3A_28, %scan3A_29 : i32
      %scan3A_31 = arith.constant 1 : i32
      scf.for %scan3A_33 = %scan3A_28 to %scan3A_30 step %scan3A_31  : i32 {
        %mul3A_34 = arith.constant 16 : i32
        %mul3A_35 = arith.muli %scan3A_33, %mul3A_34 : i32
        %get3A = arith.index_cast %mul3A_35 : i32 to index
        %get3A_36 = tpu.vector_load %arg4[%get3A] {strides = array<i32>} : memref<8192xf32, #tpu.memory_space<vmem>>, vector<16xf32>,
        %le3A = arith.constant 3.000000e-01 : f32
        %le3A_37 = vector.broadcast %le3A : f32 to vector<16xf32>
        %le3A_38 = arith.cmpf ole, %get3A_36, %le3A_37 : vector<16xf32>
        %min3A = arith.constant 3.000000e-01 : f32
        %min3A_39 = vector.broadcast %min3A : f32 to vector<16xf32>
        %min3A_40 = arith.minimumf %get3A_36, %min3A_39 : vector<16xf32>
        %mul3A_41 = arith.constant 1706.66663 : f32
        %mul3A_42 = vector.broadcast %mul3A_41 : f32 to vector<16xf32>
        %mul3A_43 = arith.mulf %min3A_40, %mul3A_42 : vector<16xf32>
        %convert_element_type3A = arith.fptosi %mul3A_43 : vector<16xf32> to vector<16xi32>
        %jit3A = arith.constant 0 : i32
        %jit3A_44 = arith.constant 511 : i32
        %max3A = vector.broadcast %jit3A : i32 to vector<16xi32>
        %max3A_45 = arith.maxsi %max3A, %convert_element_type3A : vector<16xi32>
        %min3A_46 = vector.broadcast %jit3A_44 : i32 to vector<16xi32>
        %min3A_47 = arith.minsi %min3A_46, %max3A_45 : vector<16xi32>
        %mul3A_48 = arith.constant 512 : i32
        %mul3A_49 = vector.broadcast %mul3A_48 : i32 to vector<16xi32>
        %mul3A_50 = arith.muli %iota3A, %mul3A_49 : vector<16xi32>
        %add3A_51 = arith.addi %mul3A_50, %min3A_47 : vector<16xi32>
        tpu.vector_store_idx %arg5[%add3A_51], %broadcast_in_dim3A_1 masked %le3A_38 {add = true} : memref<8192xf32, #tpu.memory_space<vmem>>[vector<16xi32>], vector<16xf32>, vector<16xi1>
        tpu.vector_store_idx %arg6[%add3A_51], %get3A_36 masked %le3A_38 {add = true} : memref<8192xf32, #tpu.memory_space<vmem>>[vector<16xi32>], vector<16xf32>, vector<16xi1>
      }
      %scan3A_32 = arith.constant 512 : i32
    }
    %scan3A_16 = arith.constant 8 : i32
    %scan3A_17 = arith.constant 0 : i32
    %scan3A_18 = arith.constant 0 : i32
    %scan3A_19 = arith.constant 32 : i32
    %scan3A_20 = arith.addi %scan3A_18, %scan3A_19 : i32
    %scan3A_21 = arith.constant 1 : i32
    scf.for %scan3A_23 = %scan3A_18 to %scan3A_20 step %scan3A_21  : i32 {
      %mul3A_24 = arith.constant 16 : i32
      %mul3A_25 = arith.muli %scan3A_23, %mul3A_24 : i32
      %add3A_26 = arith.constant 0 : i32
      %add3A_27 = arith.addi %add3A_26, %mul3A_25 : i32
      %get3A = arith.index_cast %add3A_27 : i32 to index
      %get3A_28 = tpu.vector_load %arg5[%get3A] {strides = array<i32>} : memref<8192xf32, #tpu.memory_space<vmem>>, vector<16xf32>,
      %add3A_29 = arith.addf %broadcast_in_dim3A_3, %get3A_28 : vector<16xf32>
      %mul3A_30 = arith.constant 16 : i32
      %mul3A_31 = arith.muli %scan3A_23, %mul3A_30 : i32
      %add3A_32 = arith.constant 0 : i32
      %add3A_33 = arith.addi %add3A_32, %mul3A_31 : i32
      %get3A_34 = arith.index_cast %add3A_33 : i32 to index
      %get3A_35 = tpu.vector_load %arg6[%get3A_34] {strides = array<i32>} : memref<8192xf32, #tpu.memory_space<vmem>>, vector<16xf32>,
      %add3A_36 = arith.addf %broadcast_in_dim3A_3, %get3A_35 : vector<16xf32>
      %mul3A_37 = arith.constant 16 : i32
      %mul3A_38 = arith.muli %scan3A_23, %mul3A_37 : i32
      %add3A_39 = arith.constant 512 : i32
      %add3A_40 = arith.addi %add3A_39, %mul3A_38 : i32
      %get3A_41 = arith.index_cast %add3A_40 : i32 to index
      %get3A_42 = tpu.vector_load %arg5[%get3A_41] {strides = array<i32>} : memref<8192xf32, #tpu.memory_space<vmem>>, vector<16xf32>,
      %add3A_43 = arith.addf %add3A_29, %get3A_42 : vector<16xf32>
      %mul3A_44 = arith.constant 16 : i32
      %mul3A_45 = arith.muli %scan3A_23, %mul3A_44 : i32
      %add3A_46 = arith.constant 512 : i32
      %add3A_47 = arith.addi %add3A_46, %mul3A_45 : i32
      %get3A_48 = arith.index_cast %add3A_47 : i32 to index
      %get3A_49 = tpu.vector_load %arg6[%get3A_48] {strides = array<i32>} : memref<8192xf32, #tpu.memory_space<vmem>>, vector<16xf32>,
      %add3A_50 = arith.addf %add3A_36, %get3A_49 : vector<16xf32>
      %mul3A_51 = arith.constant 16 : i32
      %mul3A_52 = arith.muli %scan3A_23, %mul3A_51 : i32
      %add3A_53 = arith.constant 1024 : i32
      %add3A_54 = arith.addi %add3A_53, %mul3A_52 : i32
      %get3A_55 = arith.index_cast %add3A_54 : i32 to index
      %get3A_56 = tpu.vector_load %arg5[%get3A_55] {strides = array<i32>} : memref<8192xf32, #tpu.memory_space<vmem>>, vector<16xf32>,
      %add3A_57 = arith.addf %add3A_43, %get3A_56 : vector<16xf32>
      %mul3A_58 = arith.constant 16 : i32
      %mul3A_59 = arith.muli %scan3A_23, %mul3A_58 : i32
      %add3A_60 = arith.constant 1024 : i32
      %add3A_61 = arith.addi %add3A_60, %mul3A_59 : i32
      %get3A_62 = arith.index_cast %add3A_61 : i32 to index
      %get3A_63 = tpu.vector_load %arg6[%get3A_62] {strides = array<i32>} : memref<8192xf32, #tpu.memory_space<vmem>>, vector<16xf32>,
      %add3A_64 = arith.addf %add3A_50, %get3A_63 : vector<16xf32>
      %mul3A_65 = arith.constant 16 : i32
      %mul3A_66 = arith.muli %scan3A_23, %mul3A_65 : i32
      %add3A_67 = arith.constant 1536 : i32
      %add3A_68 = arith.addi %add3A_67, %mul3A_66 : i32
      %get3A_69 = arith.index_cast %add3A_68 : i32 to index
      %get3A_70 = tpu.vector_load %arg5[%get3A_69] {strides = array<i32>} : memref<8192xf32, #tpu.memory_space<vmem>>, vector<16xf32>,
      %add3A_71 = arith.addf %add3A_57, %get3A_70 : vector<16xf32>
      %mul3A_72 = arith.constant 16 : i32
      %mul3A_73 = arith.muli %scan3A_23, %mul3A_72 : i32
      %add3A_74 = arith.constant 1536 : i32
      %add3A_75 = arith.addi %add3A_74, %mul3A_73 : i32
      %get3A_76 = arith.index_cast %add3A_75 : i32 to index
      %get3A_77 = tpu.vector_load %arg6[%get3A_76] {strides = array<i32>} : memref<8192xf32, #tpu.memory_space<vmem>>, vector<16xf32>,
      %add3A_78 = arith.addf %add3A_64, %get3A_77 : vector<16xf32>
      %mul3A_79 = arith.constant 16 : i32
      %mul3A_80 = arith.muli %scan3A_23, %mul3A_79 : i32
      %add3A_81 = arith.constant 2048 : i32
      %add3A_82 = arith.addi %add3A_81, %mul3A_80 : i32
      %get3A_83 = arith.index_cast %add3A_82 : i32 to index
      %get3A_84 = tpu.vector_load %arg5[%get3A_83] {strides = array<i32>} : memref<8192xf32, #tpu.memory_space<vmem>>, vector<16xf32>,
      %add3A_85 = arith.addf %add3A_71, %get3A_84 : vector<16xf32>
      %mul3A_86 = arith.constant 16 : i32
      %mul3A_87 = arith.muli %scan3A_23, %mul3A_86 : i32
      %add3A_88 = arith.constant 2048 : i32
      %add3A_89 = arith.addi %add3A_88, %mul3A_87 : i32
      %get3A_90 = arith.index_cast %add3A_89 : i32 to index
      %get3A_91 = tpu.vector_load %arg6[%get3A_90] {strides = array<i32>} : memref<8192xf32, #tpu.memory_space<vmem>>, vector<16xf32>,
      %add3A_92 = arith.addf %add3A_78, %get3A_91 : vector<16xf32>
      %mul3A_93 = arith.constant 16 : i32
      %mul3A_94 = arith.muli %scan3A_23, %mul3A_93 : i32
      %add3A_95 = arith.constant 2560 : i32
      %add3A_96 = arith.addi %add3A_95, %mul3A_94 : i32
      %get3A_97 = arith.index_cast %add3A_96 : i32 to index
      %get3A_98 = tpu.vector_load %arg5[%get3A_97] {strides = array<i32>} : memref<8192xf32, #tpu.memory_space<vmem>>, vector<16xf32>,
      %add3A_99 = arith.addf %add3A_85, %get3A_98 : vector<16xf32>
      %mul3A_100 = arith.constant 16 : i32
      %mul3A_101 = arith.muli %scan3A_23, %mul3A_100 : i32
      %add3A_102 = arith.constant 2560 : i32
      %add3A_103 = arith.addi %add3A_102, %mul3A_101 : i32
      %get3A_104 = arith.index_cast %add3A_103 : i32 to index
      %get3A_105 = tpu.vector_load %arg6[%get3A_104] {strides = array<i32>} : memref<8192xf32, #tpu.memory_space<vmem>>, vector<16xf32>,
      %add3A_106 = arith.addf %add3A_92, %get3A_105 : vector<16xf32>
      %mul3A_107 = arith.constant 16 : i32
      %mul3A_108 = arith.muli %scan3A_23, %mul3A_107 : i32
      %add3A_109 = arith.constant 3072 : i32
      %add3A_110 = arith.addi %add3A_109, %mul3A_108 : i32
      %get3A_111 = arith.index_cast %add3A_110 : i32 to index
      %get3A_112 = tpu.vector_load %arg5[%get3A_111] {strides = array<i32>} : memref<8192xf32, #tpu.memory_space<vmem>>, vector<16xf32>,
      %add3A_113 = arith.addf %add3A_99, %get3A_112 : vector<16xf32>
      %mul3A_114 = arith.constant 16 : i32
      %mul3A_115 = arith.muli %scan3A_23, %mul3A_114 : i32
      %add3A_116 = arith.constant 3072 : i32
      %add3A_117 = arith.addi %add3A_116, %mul3A_115 : i32
      %get3A_118 = arith.index_cast %add3A_117 : i32 to index
      %get3A_119 = tpu.vector_load %arg6[%get3A_118] {strides = array<i32>} : memref<8192xf32, #tpu.memory_space<vmem>>, vector<16xf32>,
      %add3A_120 = arith.addf %add3A_106, %get3A_119 : vector<16xf32>
      %mul3A_121 = arith.constant 16 : i32
      %mul3A_122 = arith.muli %scan3A_23, %mul3A_121 : i32
      %add3A_123 = arith.constant 3584 : i32
      %add3A_124 = arith.addi %add3A_123, %mul3A_122 : i32
      %get3A_125 = arith.index_cast %add3A_124 : i32 to index
      %get3A_126 = tpu.vector_load %arg5[%get3A_125] {strides = array<i32>} : memref<8192xf32, #tpu.memory_space<vmem>>, vector<16xf32>,
      %add3A_127 = arith.addf %add3A_113, %get3A_126 : vector<16xf32>
      %mul3A_128 = arith.constant 16 : i32
      %mul3A_129 = arith.muli %scan3A_23, %mul3A_128 : i32
      %add3A_130 = arith.constant 3584 : i32
      %add3A_131 = arith.addi %add3A_130, %mul3A_129 : i32
      %get3A_132 = arith.index_cast %add3A_131 : i32 to index
      %get3A_133 = tpu.vector_load %arg6[%get3A_132] {strides = array<i32>} : memref<8192xf32, #tpu.memory_space<vmem>>, vector<16xf32>,
      %add3A_134 = arith.addf %add3A_120, %get3A_133 : vector<16xf32>
      %mul3A_135 = arith.constant 16 : i32
      %mul3A_136 = arith.muli %scan3A_23, %mul3A_135 : i32
      %add3A_137 = arith.constant 4096 : i32
      %add3A_138 = arith.addi %add3A_137, %mul3A_136 : i32
      %get3A_139 = arith.index_cast %add3A_138 : i32 to index
      %get3A_140 = tpu.vector_load %arg5[%get3A_139] {strides = array<i32>} : memref<8192xf32, #tpu.memory_space<vmem>>, vector<16xf32>,
      %add3A_141 = arith.addf %add3A_127, %get3A_140 : vector<16xf32>
      %mul3A_142 = arith.constant 16 : i32
      %mul3A_143 = arith.muli %scan3A_23, %mul3A_142 : i32
      %add3A_144 = arith.constant 4096 : i32
      %add3A_145 = arith.addi %add3A_144, %mul3A_143 : i32
      %get3A_146 = arith.index_cast %add3A_145 : i32 to index
      %get3A_147 = tpu.vector_load %arg6[%get3A_146] {strides = array<i32>} : memref<8192xf32, #tpu.memory_space<vmem>>, vector<16xf32>,
      %add3A_148 = arith.addf %add3A_134, %get3A_147 : vector<16xf32>
      %mul3A_149 = arith.constant 16 : i32
      %mul3A_150 = arith.muli %scan3A_23, %mul3A_149 : i32
      %add3A_151 = arith.constant 4608 : i32
      %add3A_152 = arith.addi %add3A_151, %mul3A_150 : i32
      %get3A_153 = arith.index_cast %add3A_152 : i32 to index
      %get3A_154 = tpu.vector_load %arg5[%get3A_153] {strides = array<i32>} : memref<8192xf32, #tpu.memory_space<vmem>>, vector<16xf32>,
      %add3A_155 = arith.addf %add3A_141, %get3A_154 : vector<16xf32>
      %mul3A_156 = arith.constant 16 : i32
      %mul3A_157 = arith.muli %scan3A_23, %mul3A_156 : i32
      %add3A_158 = arith.constant 4608 : i32
      %add3A_159 = arith.addi %add3A_158, %mul3A_157 : i32
      %get3A_160 = arith.index_cast %add3A_159 : i32 to index
      %get3A_161 = tpu.vector_load %arg6[%get3A_160] {strides = array<i32>} : memref<8192xf32, #tpu.memory_space<vmem>>, vector<16xf32>,
      %add3A_162 = arith.addf %add3A_148, %get3A_161 : vector<16xf32>
      %mul3A_163 = arith.constant 16 : i32
      %mul3A_164 = arith.muli %scan3A_23, %mul3A_163 : i32
      %add3A_165 = arith.constant 5120 : i32
      %add3A_166 = arith.addi %add3A_165, %mul3A_164 : i32
      %get3A_167 = arith.index_cast %add3A_166 : i32 to index
      %get3A_168 = tpu.vector_load %arg5[%get3A_167] {strides = array<i32>} : memref<8192xf32, #tpu.memory_space<vmem>>, vector<16xf32>,
      %add3A_169 = arith.addf %add3A_155, %get3A_168 : vector<16xf32>
      %mul3A_170 = arith.constant 16 : i32
      %mul3A_171 = arith.muli %scan3A_23, %mul3A_170 : i32
      %add3A_172 = arith.constant 5120 : i32
      %add3A_173 = arith.addi %add3A_172, %mul3A_171 : i32
      %get3A_174 = arith.index_cast %add3A_173 : i32 to index
      %get3A_175 = tpu.vector_load %arg6[%get3A_174] {strides = array<i32>} : memref<8192xf32, #tpu.memory_space<vmem>>, vector<16xf32>,
      %add3A_176 = arith.addf %add3A_162, %get3A_175 : vector<16xf32>
      %mul3A_177 = arith.constant 16 : i32
      %mul3A_178 = arith.muli %scan3A_23, %mul3A_177 : i32
      %add3A_179 = arith.constant 5632 : i32
      %add3A_180 = arith.addi %add3A_179, %mul3A_178 : i32
      %get3A_181 = arith.index_cast %add3A_180 : i32 to index
      %get3A_182 = tpu.vector_load %arg5[%get3A_181] {strides = array<i32>} : memref<8192xf32, #tpu.memory_space<vmem>>, vector<16xf32>,
      %add3A_183 = arith.addf %add3A_169, %get3A_182 : vector<16xf32>
      %mul3A_184 = arith.constant 16 : i32
      %mul3A_185 = arith.muli %scan3A_23, %mul3A_184 : i32
      %add3A_186 = arith.constant 5632 : i32
      %add3A_187 = arith.addi %add3A_186, %mul3A_185 : i32
      %get3A_188 = arith.index_cast %add3A_187 : i32 to index
      %get3A_189 = tpu.vector_load %arg6[%get3A_188] {strides = array<i32>} : memref<8192xf32, #tpu.memory_space<vmem>>, vector<16xf32>,
      %add3A_190 = arith.addf %add3A_176, %get3A_189 : vector<16xf32>
      %mul3A_191 = arith.constant 16 : i32
      %mul3A_192 = arith.muli %scan3A_23, %mul3A_191 : i32
      %add3A_193 = arith.constant 6144 : i32
      %add3A_194 = arith.addi %add3A_193, %mul3A_192 : i32
      %get3A_195 = arith.index_cast %add3A_194 : i32 to index
      %get3A_196 = tpu.vector_load %arg5[%get3A_195] {strides = array<i32>} : memref<8192xf32, #tpu.memory_space<vmem>>, vector<16xf32>,
      %add3A_197 = arith.addf %add3A_183, %get3A_196 : vector<16xf32>
      %mul3A_198 = arith.constant 16 : i32
      %mul3A_199 = arith.muli %scan3A_23, %mul3A_198 : i32
      %add3A_200 = arith.constant 6144 : i32
      %add3A_201 = arith.addi %add3A_200, %mul3A_199 : i32
      %get3A_202 = arith.index_cast %add3A_201 : i32 to index
      %get3A_203 = tpu.vector_load %arg6[%get3A_202] {strides = array<i32>} : memref<8192xf32, #tpu.memory_space<vmem>>, vector<16xf32>,
      %add3A_204 = arith.addf %add3A_190, %get3A_203 : vector<16xf32>
      %mul3A_205 = arith.constant 16 : i32
      %mul3A_206 = arith.muli %scan3A_23, %mul3A_205 : i32
      %add3A_207 = arith.constant 6656 : i32
      %add3A_208 = arith.addi %add3A_207, %mul3A_206 : i32
      %get3A_209 = arith.index_cast %add3A_208 : i32 to index
      %get3A_210 = tpu.vector_load %arg5[%get3A_209] {strides = array<i32>} : memref<8192xf32, #tpu.memory_space<vmem>>, vector<16xf32>,
      %add3A_211 = arith.addf %add3A_197, %get3A_210 : vector<16xf32>
      %mul3A_212 = arith.constant 16 : i32
      %mul3A_213 = arith.muli %scan3A_23, %mul3A_212 : i32
      %add3A_214 = arith.constant 6656 : i32
      %add3A_215 = arith.addi %add3A_214, %mul3A_213 : i32
      %get3A_216 = arith.index_cast %add3A_215 : i32 to index
      %get3A_217 = tpu.vector_load %arg6[%get3A_216] {strides = array<i32>} : memref<8192xf32, #tpu.memory_space<vmem>>, vector<16xf32>,
      %add3A_218 = arith.addf %add3A_204, %get3A_217 : vector<16xf32>
      %mul3A_219 = arith.constant 16 : i32
      %mul3A_220 = arith.muli %scan3A_23, %mul3A_219 : i32
      %add3A_221 = arith.constant 7168 : i32
      %add3A_222 = arith.addi %add3A_221, %mul3A_220 : i32
      %get3A_223 = arith.index_cast %add3A_222 : i32 to index
      %get3A_224 = tpu.vector_load %arg5[%get3A_223] {strides = array<i32>} : memref<8192xf32, #tpu.memory_space<vmem>>, vector<16xf32>,
      %add3A_225 = arith.addf %add3A_211, %get3A_224 : vector<16xf32>
      %mul3A_226 = arith.constant 16 : i32
      %mul3A_227 = arith.muli %scan3A_23, %mul3A_226 : i32
      %add3A_228 = arith.constant 7168 : i32
      %add3A_229 = arith.addi %add3A_228, %mul3A_227 : i32
      %get3A_230 = arith.index_cast %add3A_229 : i32 to index
      %get3A_231 = tpu.vector_load %arg6[%get3A_230] {strides = array<i32>} : memref<8192xf32, #tpu.memory_space<vmem>>, vector<16xf32>,
      %add3A_232 = arith.addf %add3A_218, %get3A_231 : vector<16xf32>
      %mul3A_233 = arith.constant 16 : i32
      %mul3A_234 = arith.muli %scan3A_23, %mul3A_233 : i32
      %add3A_235 = arith.constant 7680 : i32
      %add3A_236 = arith.addi %add3A_235, %mul3A_234 : i32
      %get3A_237 = arith.index_cast %add3A_236 : i32 to index
      %get3A_238 = tpu.vector_load %arg5[%get3A_237] {strides = array<i32>} : memref<8192xf32, #tpu.memory_space<vmem>>, vector<16xf32>,
      %add3A_239 = arith.addf %add3A_225, %get3A_238 : vector<16xf32>
      %mul3A_240 = arith.constant 16 : i32
      %mul3A_241 = arith.muli %scan3A_23, %mul3A_240 : i32
      %add3A_242 = arith.constant 7680 : i32
      %add3A_243 = arith.addi %add3A_242, %mul3A_241 : i32
      %get3A_244 = arith.index_cast %add3A_243 : i32 to index
      %get3A_245 = tpu.vector_load %arg6[%get3A_244] {strides = array<i32>} : memref<8192xf32, #tpu.memory_space<vmem>>, vector<16xf32>,
      %add3A_246 = arith.addf %add3A_232, %get3A_245 : vector<16xf32>
      %mul3A_247 = arith.constant 16 : i32
      %mul3A_248 = arith.muli %scan3A_23, %mul3A_247 : i32
      %swap3A = arith.index_cast %mul3A_248 : i32 to index
      %swap3A_249 = tpu.vector_load %arg7[%swap3A] {strides = array<i32>} : memref<1024xf32, #tpu.memory_space<vmem>>, vector<16xf32>,
      tpu.vector_store %arg7[%swap3A], %add3A_239 {strides = array<i32>} : memref<1024xf32, #tpu.memory_space<vmem>>, vector<16xf32>,
      %mul3A_250 = arith.constant 16 : i32
      %mul3A_251 = arith.muli %scan3A_23, %mul3A_250 : i32
      %add3A_252 = arith.constant 512 : i32
      %add3A_253 = arith.addi %add3A_252, %mul3A_251 : i32
      %swap3A_254 = arith.index_cast %add3A_253 : i32 to index
      %swap3A_255 = tpu.vector_load %arg7[%swap3A_254] {strides = array<i32>} : memref<1024xf32, #tpu.memory_space<vmem>>, vector<16xf32>,
      tpu.vector_store %arg7[%swap3A_254], %add3A_246 {strides = array<i32>} : memref<1024xf32, #tpu.memory_space<vmem>>, vector<16xf32>,
    }
    %scan3A_22 = arith.constant 32 : i32
    "tpu.region"() ({
      %run_scoped3A = tpu.sem_alloc : memref<!tpu.dma_semaphore, #tpu.memory_space<semaphore_mem>>
      %dma_start3A = arith.constant 0 : i32
      %dma_start3A_23 = tpu.memref_slice %arg3[%add3A, %dma_start3A] : memref<32x1024xf32, #tpu.memory_space<hbm>> -> memref<1x1024xf32, #tpu.memory_space<hbm>>
      %dma_start3A_24 = tpu.memref_squeeze %dma_start3A_23 : memref<1x1024xf32, #tpu.memory_space<hbm>> -> memref<1024xf32, #tpu.memory_space<hbm>>
      %dma_start3A_25 = arith.constant 0 : i32
      %dma_start3A_26 = tpu.memref_slice %arg3[%add3A, %dma_start3A_25] : memref<32x1024xf32, #tpu.memory_space<hbm>> -> memref<1x1024xf32, #tpu.memory_space<hbm>>
      %dma_start3A_27 = tpu.memref_squeeze %dma_start3A_26 : memref<1x1024xf32, #tpu.memory_space<hbm>> -> memref<1024xf32, #tpu.memory_space<hbm>>
      tpu.enqueue_dma source(%arg7 : memref<1024xf32, #tpu.memory_space<vmem>>) target(%dma_start3A_27 : memref<1024xf32, #tpu.memory_space<hbm>>) target_semaphore(%run_scoped3A : memref<!tpu.dma_semaphore, #tpu.memory_space<semaphore_mem>>)
      %dma_wait3A = arith.constant 0 : i32
      %dma_wait3A_28 = tpu.memref_slice %arg3[%add3A, %dma_wait3A] : memref<32x1024xf32, #tpu.memory_space<hbm>> -> memref<1x1024xf32, #tpu.memory_space<hbm>>
      %dma_wait3A_29 = tpu.memref_squeeze %dma_wait3A_28 : memref<1x1024xf32, #tpu.memory_space<hbm>> -> memref<1024xf32, #tpu.memory_space<hbm>>
      %dma_wait3A_30 = arith.constant 0 : i32
      %dma_wait3A_31 = tpu.memref_slice %arg3[%add3A, %dma_wait3A_30] : memref<32x1024xf32, #tpu.memory_space<hbm>> -> memref<1x1024xf32, #tpu.memory_space<hbm>>
      %dma_wait3A_32 = tpu.memref_squeeze %dma_wait3A_31 : memref<1x1024xf32, #tpu.memory_space<hbm>> -> memref<1024xf32, #tpu.memory_space<hbm>>
      tpu.wait_dma2 semaphore(%run_scoped3A : memref<!tpu.dma_semaphore, #tpu.memory_space<semaphore_mem>>) src(%arg7 : memref<1024xf32, #tpu.memory_space<vmem>>) dst(%dma_wait3A_32 : memref<1024xf32, #tpu.memory_space<hbm>>)
      tpu.yield
    }) : () -> ()
    return
  }
}

module attributes {stable_mosaic.version = 14 : i64} {
  func.func @_ce_stage1(%arg0: i32, %arg1: i32, %arg2: memref<1x19x128x512xf32, #tpu.memory_space<vmem>>, %arg3: memref<1x128x512xi32, #tpu.memory_space<vmem>>, %arg4: memref<1x128x512xf32, #tpu.memory_space<vmem>>, %arg5: memref<1x1xf32, #tpu.memory_space<smem>>, %arg6: memref<1x1xf32, #tpu.memory_space<smem>>) attributes {dimension_semantics = [#tpu.dimension_semantics<arbitrary>, #tpu.dimension_semantics<arbitrary>], iteration_bounds = array<i64: 8, 4>, scalar_prefetch = 0 : i64, scratch_operands = 0 : i64, tpu.core_type = #tpu.core_type<tc>, window_params = [{transform_indices = @transform_0, window_bounds = array<i64: 1, 19, 128, 512>}, {transform_indices = @transform_1, window_bounds = array<i64: 1, 128, 512>}, {transform_indices = @transform_2, window_bounds = array<i64: 1, 128, 512>}, {transform_indices = @transform_3, window_bounds = array<i64: 1, 1>}, {transform_indices = @transform_4, window_bounds = array<i64: 1, 1>}]} {
    %get3A = arith.constant 0 : index
    %get3A_0 = arith.constant 0 : index
    %get3A_1 = arith.constant 0 : index
    %get3A_2 = arith.constant 0 : index
    %get3A_3 = vector.load %arg2[%get3A, %get3A_0, %get3A_1, %get3A_2] : memref<1x19x128x512xf32, #tpu.memory_space<vmem>>, vector<1x19x128x512xf32>
    %get3A_4 = vector.shape_cast %get3A_3 : vector<1x19x128x512xf32> to vector<19x128x512xf32>
    %get3A_5 = arith.constant 0 : index
    %get3A_6 = arith.constant 0 : index
    %get3A_7 = arith.constant 0 : index
    %get3A_8 = vector.load %arg3[%get3A_5, %get3A_6, %get3A_7] : memref<1x128x512xi32, #tpu.memory_space<vmem>>, vector<1x128x512xi32>
    %get3A_9 = vector.shape_cast %get3A_8 : vector<1x128x512xi32> to vector<128x512xi32>
    %reduce_max3A = arith.constant dense<0xFF800000> : vector<128x512xf32>
    %reduce_max3A_10 = vector.multi_reduction <maximumf>, %get3A_4, %reduce_max3A [0] : vector<19x128x512xf32> to vector<128x512xf32>
    %broadcast_in_dim3A = vector.shape_cast %reduce_max3A_10 : vector<128x512xf32> to vector<1x128x512xf32>
    %sub3A = vector.broadcast %broadcast_in_dim3A : vector<1x128x512xf32> to vector<19x128x512xf32>
    %sub3A_11 = arith.subf %get3A_4, %sub3A : vector<19x128x512xf32>
    %exp3A = math.exp %sub3A_11 : vector<19x128x512xf32>
    %reduce_sum3A = arith.constant dense<0.000000e+00> : vector<128x512xf32>
    %reduce_sum3A_12 = vector.multi_reduction <add>, %exp3A, %reduce_sum3A [0] : vector<19x128x512xf32> to vector<128x512xf32>
    %log3A = math.log %reduce_sum3A_12 : vector<128x512xf32>
    %add3A = arith.addf %log3A, %reduce_max3A_10 : vector<128x512xf32>
    %iota3A = tpu.iota {dimensions = array<i32: 0>} : vector<19x128x512xi32>
    %broadcast_in_dim3A_13 = vector.shape_cast %get3A_9 : vector<128x512xi32> to vector<1x128x512xi32>
    %eq3A = vector.broadcast %broadcast_in_dim3A_13 : vector<1x128x512xi32> to vector<19x128x512xi32>
    %eq3A_14 = arith.cmpi eq, %iota3A, %eq3A : vector<19x128x512xi32>
    %jit3A = arith.constant 0.000000e+00 : f32
    %broadcast_in_dim3A_15 = vector.broadcast %jit3A : f32 to vector<19x128x512xf32>
    %select_n3A = arith.select %eq3A_14, %get3A_4, %broadcast_in_dim3A_15 : vector<19x128x512xi1>, vector<19x128x512xf32>
    %reduce_sum3A_16 = arith.constant dense<0.000000e+00> : vector<128x512xf32>
    %reduce_sum3A_17 = vector.multi_reduction <add>, %select_n3A, %reduce_sum3A_16 [0] : vector<19x128x512xf32> to vector<128x512xf32>
    %ne3A = arith.constant 255 : i32
    %ne3A_18 = vector.broadcast %ne3A : i32 to vector<128x512xi32>
    %ne3A_19 = arith.cmpi ne, %get3A_9, %ne3A_18 : vector<128x512xi32>
    %sub3A_20 = arith.subf %add3A, %reduce_sum3A_17 : vector<128x512xf32>
    %jit3A_21 = arith.constant 0.000000e+00 : f32
    %broadcast_in_dim3A_22 = vector.broadcast %jit3A_21 : f32 to vector<128x512xf32>
    %select_n3A_23 = arith.select %ne3A_19, %sub3A_20, %broadcast_in_dim3A_22 : vector<128x512xi1>, vector<128x512xf32>
    %swap3A = arith.constant 0 : index
    %swap3A_24 = arith.constant 0 : index
    %swap3A_25 = arith.constant 0 : index
    %swap3A_26 = vector.load %arg4[%swap3A, %swap3A_24, %swap3A_25] : memref<1x128x512xf32, #tpu.memory_space<vmem>>, vector<1x128x512xf32>
    %swap3A_27 = vector.shape_cast %swap3A_26 : vector<1x128x512xf32> to vector<128x512xf32>
    %swap3A_28 = vector.shape_cast %select_n3A_23 : vector<128x512xf32> to vector<1x128x512xf32>
    tpu.vector_store %arg4[%swap3A, %swap3A_24, %swap3A_25], %swap3A_28 {strides = array<i32>} : memref<1x128x512xf32, #tpu.memory_space<vmem>>, vector<1x128x512xf32>,
    %gt3A = arith.constant 3.000000e-01 : f32
    %gt3A_29 = vector.broadcast %gt3A : f32 to vector<128x512xf32>
    %gt3A_30 = arith.cmpf ogt, %select_n3A_23, %gt3A_29 : vector<128x512xf32>
    %convert_element_type3A = arith.extui %gt3A_30 : vector<128x512xi1> to vector<128x512xi32>
    %convert_element_type3A_31 = arith.sitofp %convert_element_type3A : vector<128x512xi32> to vector<128x512xf32>
    %reduce_sum3A_32 = vector.shape_cast %convert_element_type3A_31 : vector<128x512xf32> to vector<1x128x512xf32>
    %reduce_sum3A_33 = arith.constant dense<0.000000e+00> : vector<1xf32>
    %reduce_sum3A_34 = vector.multi_reduction <add>, %reduce_sum3A_32, %reduce_sum3A_33 [1, 2] : vector<1x128x512xf32> to vector<1xf32>
    %reduce_sum3A_35 = vector.shape_cast %reduce_sum3A_34 : vector<1xf32> to vector<1x1x1xf32>
    %reduce_sum3A_36 = vector.extract %reduce_sum3A_35[0, 0, 0] : f32 from vector<1x1x1xf32>
    %jit3A_37 = arith.constant 0.000000e+00 : f32
    %broadcast_in_dim3A_38 = vector.broadcast %jit3A_37 : f32 to vector<128x512xf32>
    %select_n3A_39 = arith.select %gt3A_30, %select_n3A_23, %broadcast_in_dim3A_38 : vector<128x512xi1>, vector<128x512xf32>
    %reduce_sum3A_40 = vector.shape_cast %select_n3A_39 : vector<128x512xf32> to vector<1x128x512xf32>
    %reduce_sum3A_41 = arith.constant dense<0.000000e+00> : vector<1xf32>
    %reduce_sum3A_42 = vector.multi_reduction <add>, %reduce_sum3A_40, %reduce_sum3A_41 [1, 2] : vector<1x128x512xf32> to vector<1xf32>
    %reduce_sum3A_43 = vector.shape_cast %reduce_sum3A_42 : vector<1xf32> to vector<1x1x1xf32>
    %reduce_sum3A_44 = vector.extract %reduce_sum3A_43[0, 0, 0] : f32 from vector<1x1x1xf32>
    %eq3A_45 = arith.constant 0 : i32
    %eq3A_46 = arith.cmpi eq, %arg0, %eq3A_45 : i32
    %eq3A_47 = arith.constant 0 : i32
    %eq3A_48 = arith.cmpi eq, %arg1, %eq3A_47 : i32
    %and3A = arith.andi %eq3A_46, %eq3A_48 : i1
    %convert_element_type3A_49 = arith.extui %and3A : i1 to i32
    %cond3A = arith.constant 0 : i32
    %cond3A_50 = arith.cmpi ne, %convert_element_type3A_49, %cond3A : i32
    scf.if %cond3A_50 {
      %swap3A_65 = arith.constant 0.000000e+00 : f32
      %swap3A_66 = arith.constant 0 : index
      %swap3A_67 = arith.constant 0 : index
      %swap3A_68 = memref.load %arg5[%swap3A_66, %swap3A_67] : memref<1x1xf32, #tpu.memory_space<smem>>
      memref.store %swap3A_65, %arg5[%swap3A_66, %swap3A_67] : memref<1x1xf32, #tpu.memory_space<smem>>
      %swap3A_69 = arith.constant 0.000000e+00 : f32
      %swap3A_70 = arith.constant 0 : index
      %swap3A_71 = arith.constant 0 : index
      %swap3A_72 = memref.load %arg6[%swap3A_70, %swap3A_71] : memref<1x1xf32, #tpu.memory_space<smem>>
      memref.store %swap3A_69, %arg6[%swap3A_70, %swap3A_71] : memref<1x1xf32, #tpu.memory_space<smem>>
    } else {
    }
    %get3A_51 = arith.constant 0 : index
    %get3A_52 = arith.constant 0 : index
    %get3A_53 = memref.load %arg5[%get3A_51, %get3A_52] : memref<1x1xf32, #tpu.memory_space<smem>>
    %add3A_54 = arith.addf %get3A_53, %reduce_sum3A_36 : f32
    %swap3A_55 = arith.constant 0 : index
    %swap3A_56 = arith.constant 0 : index
    %swap3A_57 = memref.load %arg5[%swap3A_55, %swap3A_56] : memref<1x1xf32, #tpu.memory_space<smem>>
    memref.store %add3A_54, %arg5[%swap3A_55, %swap3A_56] : memref<1x1xf32, #tpu.memory_space<smem>>
    %get3A_58 = arith.constant 0 : index
    %get3A_59 = arith.constant 0 : index
    %get3A_60 = memref.load %arg6[%get3A_58, %get3A_59] : memref<1x1xf32, #tpu.memory_space<smem>>
    %add3A_61 = arith.addf %get3A_60, %reduce_sum3A_44 : f32
    %swap3A_62 = arith.constant 0 : index
    %swap3A_63 = arith.constant 0 : index
    %swap3A_64 = memref.load %arg6[%swap3A_62, %swap3A_63] : memref<1x1xf32, #tpu.memory_space<smem>>
    memref.store %add3A_61, %arg6[%swap3A_62, %swap3A_63] : memref<1x1xf32, #tpu.memory_space<smem>>
    return
  }
  func.func @transform_0(%arg0: i32, %arg1: i32) -> (i32, i32, i32, i32) {
    %c0_i32 = arith.constant 0 : i32
    %c0_i32_0 = arith.constant 0 : i32
    %c0_i32_1 = arith.constant 0 : i32
    return %arg0, %c0_i32, %arg1, %c0_i32_0 : i32, i32, i32, i32
  }
  func.func @transform_1(%arg0: i32, %arg1: i32) -> (i32, i32, i32) {
    %c0_i32 = arith.constant 0 : i32
    %c0_i32_0 = arith.constant 0 : i32
    return %arg0, %arg1, %c0_i32 : i32, i32, i32
  }
  func.func @transform_2(%arg0: i32, %arg1: i32) -> (i32, i32, i32) {
    %c0_i32 = arith.constant 0 : i32
    %c0_i32_0 = arith.constant 0 : i32
    return %arg0, %arg1, %c0_i32 : i32, i32, i32
  }
  func.func @transform_3(%arg0: i32, %arg1: i32) -> (i32, i32) {
    %c0_i32 = arith.constant 0 : i32
    %c0_i32_0 = arith.constant 0 : i32
    %c0_i32_1 = arith.constant 0 : i32
    return %c0_i32, %c0_i32_0 : i32, i32
  }
  func.func @transform_4(%arg0: i32, %arg1: i32) -> (i32, i32) {
    %c0_i32 = arith.constant 0 : i32
    %c0_i32_0 = arith.constant 0 : i32
    %c0_i32_1 = arith.constant 0 : i32
    return %c0_i32, %c0_i32_0 : i32, i32
  }
}

</mosaic_0001>

<sc_bundles>
// kernel: kernel.4.cloned.1.call-start
scs
__scs_entry_jumppad:
0x0: {  	(pc) =	sbr.rel $0x88, $3  }
0x1: {  	(tag) =	ssettag $0x0;
	lr =	simm.s32 $0x1  }
0x2: {  	[smem:$0x3F9F] =	sst lr;
	_ =	strace $0xD0000000  }
0x3: {  	_ = 	snop  }
0x4: {  	_ = 	snop  }
0x5: {  	_ = 	snop  }
0x6: {  	_ = 	snop  }
0x7: {  	_ = 	snop  }
__scs_overlays_trampoline_lowered:
0x8: {  	[smem:$0x3FAE] =	sst s0  }
0x9: {  	[smem:$0x3FAF] =	sst s1  }
0xa: {  	[smem:$0x3FB0] =	sst s2  }
0xb: {  	[smem:$0x3FB1] =	sst s3  }
0xc: {  	[smem:$0x3FB2] =	sst s4  }
0xd: {  	[smem:$0x3FB3] =	sst s5  }
0xe: {  	[smem:$0x3FB4] =	sst s6  }
0xf: {  	[smem:$0x3FB5] =	sst s7  }
0x10: {  	[smem:$0x3FB6] =	sst s8  }
0x11: {  	[smem:$0x3FB7] =	sst s9;
	s0 =	simm.s32 @!p0 $0x0  }
0x12: {  	s1 =	sld [smem:$0x3F9D];
	s0 =	simm.s32 @p0 $0x1  }
0x13: {  	[smem:$0x3FB8] =	sst s0;
	s0 =	simm.s32 @!p1 $0x0  }
0x14: {  	s2 =	sld [smem:$0x3F9C];
	s0 =	simm.s32 @p1 $0x1  }
0x15: {  	[smem:$0x3FB9] =	sst s0;
	s0 =	simm.s32 @!p2 $0x0  }
0x16: {  	s3 =	sld [smem:$0x3FDB];
	s0 =	simm.s32 @p2 $0x1  }
0x17: {  	s4 =	simm.s32 $0x1BF5;
	[smem:$0x3FBB] =	sst s0  }
0x18: {  	s0 =	sld [smem:$0x3F9E];
	_ =	swait.ge [sflag:s4], $0x0  }
0x19: {  	s7 =	sld [smem:$0x3F9F]  }
0x1a: {  	s8 =	sadd.s32 $0xFFFFE003, lr  }
0x1b: {  	s9 =	sadd.s32 $0xFFFFFEF7, lr;
	s5 =	simm.s32 $0xFFFFFFFF;
	p2 =	slt.u32 s8, $0xFFFFF086  }
0x1c: {  	p1 =	slt.u32 s9, $0xF7A;
	s5 =	simm.s32 @!p2 $0x0  }
0x1d: {  	s5 =	simm.s32 @p1 $0x1;
	p0 =	seq.s32 s7, s2  }
0x1e: {  	s7 =	smul.u32 @!p0 $0xF7A, s2;
	p2 =	seq.s32 @!p0 s5, $0x0  }
0x1f: {  	s9 =	smul.u32 $0xF7A, s1;
	s8 =	simm.s32 @!p0 $0x1BF5;
	p2 =	por !p2, p0  }
0x20: {  	[sflag:s8] =	ssyncset.s32 @!p0 $0xFFFFF086;
	s6 =	sadd.s32 @!p0 s3, s7;
	s7 =	simm.s32 @!p0 $0x108  }
0x21: {  	s3 =	sadd.s32 s3, s9;
	s6 =	sadd.s32 @!p0 $0x88, s6;
	s7 =	simm.s32 @p2 $0x1082  }
0x22: {  	[simem:s7], [sflag:s8] =	dma.local @!p0 [hbm:s6], $0xF7A  }
0x23: {  	s9 =	sor.u32 $0xD0000000, s2;
	s6 =	simm.s32 $0x108;
	_ =	swait.ge @!p0 [sflag:s8], $0x0  }
0x24: {  	s3 =	sadd.s32 $0x88, s3;
	s6 =	simm.s32 @!p1 $0x1082;
	[sflag:s4] =	ssyncset.s32 $0xFFFFF086  }
0x25: {  	[simem:s6], [sflag:s4] =	dma.local [hbm:s3], $0xF7A  }
0x26: {  	[smem:$0x3F9F] =	sst s1;
	(tag) =	ssettag s2;
	_ =	strace s9  }
0x27: {  	s1 =	sld [smem:$0x3FAF]  }
0x28: {  	s2 =	sld [smem:$0x3FB0]  }
0x29: {  	s4 =	sld [smem:$0x3FB2]  }
0x2a: {  	p0 =	seq.s32 s5, $0x0;
	s5 =	sld [smem:$0x3FB3]  }
0x2b: {  	s6 =	sld [smem:$0x3FB4]  }
0x2c: {  	s7 =	sld [smem:$0x3FB5]  }
0x2d: {  	s3 =	simm.s32 $0x108;
	s8 =	sld [smem:$0x3FB6]  }
0x2e: {  	s3 =	simm.s32 @!p0 $0x1082;
	s9 =	sld [smem:$0x3FB7]  }
0x2f: {  	lr =	sadd.s32 s0, s3;
	s0 =	sld [smem:$0x3FAE]  }
0x30: {  	s3 =	sld [smem:$0x3FB1]  }
0x31: {  	[smem:$0x3FBA] =	sst s10  }
0x32: {  	s10 =	sld [smem:$0x3FB8];
	_ =	sdelay $0x3  }
0x33: {  	p0 =	seq.s32 s10, $0x1;
	s10 =	sld [smem:$0x3FBA];
	_ =	sdelay $0x3  }
0x34: {  	[smem:$0x3FBA] =	sst s10  }
0x35: {  	s10 =	sld [smem:$0x3FB9];
	_ =	sdelay $0x3  }
0x36: {  	p1 =	seq.s32 s10, $0x1;
	s10 =	sld [smem:$0x3FBA];
	_ =	sdelay $0x3  }
0x37: {  	[smem:$0x3FBA] =	sst s10  }
0x38: {  	s10 =	sld [smem:$0x3FBB]  }
0x39: {  	_ = 	snop;
	(pc) =	sbr.ind lr, $3  }
0x3a: {  	_ = 	snop  }
0x3b: {  	_ = 	snop  }
0x3c: {  	p2 =	seq.s32 s10, $0x1;
	s10 =	sld [smem:$0x3FBA]  }
0x3d: {  	_ =	shalt  }
0x3e: {  	_ =	shalt  }
0x3f: {  	_ =	shalt  }
0x40: {  	_ =	shalt  }
0x41: {  	_ =	shalt  }
0x42: {  	_ =	shalt  }
0x43: {  	_ =	shalt  }
0x44: {  	_ =	shalt  }
0x45: {  	_ =	shalt  }
0x46: {  	_ =	shalt  }
0x47: {  	_ =	shalt  }
0x48: {  	_ =	shalt  }
0x49: {  	_ =	shalt  }
0x4a: {  	_ =	shalt  }
0x4b: {  	_ =	shalt  }
0x4c: {  	_ =	shalt  }
0x4d: {  	_ =	shalt  }
0x4e: {  	_ =	shalt  }
0x4f: {  	_ =	shalt  }
0x50: {  	_ =	shalt  }
0x51: {  	_ =	shalt  }
0x52: {  	_ =	shalt  }
0x53: {  	_ =	shalt  }
0x54: {  	_ =	shalt  }
0x55: {  	_ =	shalt  }
0x56: {  	_ =	shalt  }
0x57: {  	_ =	shalt  }
0x58: {  	_ =	shalt  }
0x59: {  	_ =	shalt  }
0x5a: {  	_ =	shalt  }
0x5b: {  	_ =	shalt  }
0x5c: {  	_ =	shalt  }
0x5d: {  	_ =	shalt  }
0x5e: {  	_ =	shalt  }
0x5f: {  	_ =	shalt  }
0x60: {  	_ =	shalt  }
0x61: {  	_ =	shalt  }
0x62: {  	_ =	shalt  }
0x63: {  	_ =	shalt  }
0x64: {  	_ =	shalt  }
0x65: {  	_ =	shalt  }
0x66: {  	_ =	shalt  }
0x67: {  	_ =	shalt  }
0x68: {  	_ =	shalt  }
0x69: {  	_ =	shalt  }
0x6a: {  	_ =	shalt  }
0x6b: {  	_ =	shalt  }
0x6c: {  	_ =	shalt  }
0x6d: {  	_ =	shalt  }
0x6e: {  	_ =	shalt  }
0x6f: {  	_ =	shalt  }
0x70: {  	_ =	shalt  }
0x71: {  	_ =	shalt  }
0x72: {  	_ =	shalt  }
0x73: {  	_ =	shalt  }
0x74: {  	_ =	shalt  }
0x75: {  	_ =	shalt  }
0x76: {  	_ =	shalt  }
0x77: {  	_ =	shalt  }
0x78: {  	_ =	shalt  }
0x79: {  	_ =	shalt  }
0x7a: {  	_ =	shalt  }
0x7b: {  	_ =	shalt  }
0x7c: {  	_ =	shalt  }
0x7d: {  	_ =	shalt  }
0x7e: {  	_ =	shalt  }
0x7f: {  	_ =	shalt  }
0x80: {  	_ =	shalt  }
0x81: {  	_ =	shalt  }
0x82: {  	_ =	shalt  }
0x83: {  	_ =	shalt  }
0x84: {  	_ =	shalt  }
0x85: {  	_ =	shalt  }
0x86: {  	_ =	shalt  }
0x87: {  	_ =	shalt  }
.Lfunc_end0:
.L_simem_size_0:
called_computation_lowered:
.L_overlay_start_0:
0x88: {  	s2 =	sld [smem:$0x3FD9]  }
0x89: {  	s3 =	sld [smem:$0x3FFE];
	_ =	sdelay $0x1  }
0x8a: {  	s1 =	srdreg.scid  }
0x8b: {  	s0 =	sand.u32 $0x1, s1  }
0x8c: {  	s16 =	sshll.u32 s0, $0xA;
	s2 =	sadd.s32 s3, s2  }
0x8d: {  	s2 =	sadd.s32 s2, s16  }
0x8e: {  	[smem:$0x3FC6] =	sst s2  }
0x8f: {  	_ = 	snop  }
0x90: {  	(tm) =	ssettm $0x1  }
0x91: {  	s17 =	sld [smem:$0x3FFB];
	_ =	sdelay $0x3  }
0x92: {  	_ =	strace s17  }
0x93: {  	s2 =	sld [smem:$0x3FFC];
	_ =	sdelay $0x3  }
0x94: {  	_ =	strace s2  }
0x95: {  	s2 =	sld [smem:$0x3FFD];
	_ =	sdelay $0x3  }
0x96: {  	_ =	strace s2  }
0x97: {  	_ =	strace $0x8FFFFFFF  }
0x98: {  	s18 =	sld [smem:$0x3FDB];
	_ =	sdelay $0x1  }
0x99: {  	s19 =	simm.s32 $_scs_section_size  }
0x9a: {  	s4 =	simm.s32 $_size__tile_overlayer_lowered;
	s5 =	simm.s32 $_tile_overlayer_lowered  }
0x9b: {  	s22 =	simm.s32 $0x1BFF;
	s21 =	sshll.u32 s5, $0x1;
	s2 =	sadd.s32 s19, s18  }
0x9c: {  	s6 =	simm.s32 $0x0;
	s20 =	sshll.u32 s4, $0x1;
	s4 =	sadd.s32 s21, s2  }
0x9d: {  	[timem:s6], [sflag:s22] =	dma.local [hbm:s4], s20  }
0x9e: {  	_ =	swait.ge [sflag:s22], s20  }
0x9f: {  	s3 =	ssub.s32 $0x0, s20;
	[sflag:s22] =	ssyncset.done $0x0  }
0xa0: {  	[sflag:s22] =	ssyncadd.s32 s3;
	_ =	sdelay $0x1  }
0xa1: {  	s23 =	simm.s32 $0x1B8B  }
0xa2: {  	_ =	swait.ge [sflag:s23], $0x1  }
0xa3: {  	[sflag:s23] =	ssyncset.done $0x0  }
0xa4: {  	s25 =	simm.s32 $0x1B8E;
	s24 =	sld [smem:$0x3FFE];
	[sflag:s23] =	ssyncadd.s32 $0xFFFFFFFF  }
0xa5: {  	s26 =	simm.s32 $execute0_lowered;
	[smem:$0x3FD2] =	sst s25  }
0xa6: {  	s4 =	sshll.u32 s26, $0x1;
	_ =	strace $0x80000046;
	[dreg:$0x1] =	wrdreg $0xFFFFFFFF  }
0xa7: {  	s28 =	simm.s32 $_size_execute0_lowered;
	s2 =	sadd.s32 s2, s4;
	[dreg:$0x0] =	wrdreg $0x0  }
0xa8: {  	s4 =	sshll.u32 s28, $0x1;
	[dreg:$0x2] =	wrdreg s2  }
0xa9: {  	[dreg:$0x3] =	wrdreg s4  }
0xaa: {  	[dreg:$0x4] =	wrdreg $0xC0  }
0xab: {  	_ =	task [dreg:s6], $0x5FFFF  }
0xac: {  	[dreg:$0x1] =	wrdreg $0xFFFFFFFF  }
0xad: {  	[dreg:$0x0] =	wrdreg $0x60  }
0xae: {  	[dreg:$0x2] =	wrdreg s24  }
0xaf: {  	[dreg:$0x3] =	wrdreg $0x9  }
0xb0: {  	_ =	task.clear_ibuf [dreg:s6], $0x4FFFF;
	_ =	strace $0x90000046  }
0xb1: {  	s29 =	simm.s32 $0x9;
	_ =	strace $0x80000048  }
0xb2: {  	_ =	swait.ge [sflag:s29], $0x1  }
0xb3: {  	[sflag:s29] =	ssyncadd.s32 $0xFFFFFFFF  }
0xb4: {  	_ =	strace $0x90000048  }
0xb5: {  	_ =	sfence  }
0xb6: {  	s30 =	sld [smem:$0x0];
	_ =	sdelay $0x2  }
0xb7: {  	s31 =	sshll.u32 s1, $0xD;
	s1 =	sshrl.u32 s1, $0x2  }
0xb8: {  	s3 =	sand.u32 $0x4000, s31;
	s1 =	sadd.s32 s1, s30  }
0xb9: {  	s0 =	sor.u32 s3, s0;
	s1 =	sshll.u32 s1, $0x11  }
0xba: {  	s0 =	sor.u32 s1, s0  }
0xbb: {  	s0 =	sadd.s32 $0x8F2B, s0  }
0xbc: {  	[sflag:s0] =	ssyncadd.remote.s32 $0x1  }
0xbd: {  	_ =	sfence.sel $0xFFFF  }
0xbe: {  	[dreg:$0x0] =	wrdreg $0xFFFFFFFF;
	(pc) =	sbr.abs _section_cstart, $3  }
0xbf: {  	[dreg:$0x1] =	wrdreg $0xFFFFFFFF  }
0xc0: {  	_ =	task.clear_ibuf [dreg:s6], $0x2FFFF;
	_ =	strace $0x9FFFFFFF  }
0xc1: {  	(tm) =	ssettm $0x7FFFFFFF  }
tec
execute0_lowered:
.L_overlay_start_1:
0x0: {  	(tag) =	ssettag $0x1  }
0x1: {  	s3 =	rddreg [dreg:$0x0]  }
0x2: {  	s0 =	rddreg [dreg:$0x1];
	s4 =	srdreg.scid  }
0x3: {  	s1 =	stileid.u32;
	s2 =	simm.s32 $0x0;
	s9 =	simm.s32 $0x80  }
0x4: {  	s10 =	simm.s32 $0x400;
	s11 =	simm.s32 $0x6000;
	s4 =	sand.u32 $0x1, s4  }
0x5: {  	s5 =	sshll.u32 s1, $0x1;
	[smem:$0x7FF] =	sst s2;
	s7 =	sshll.u32 s1, $0x8  }
0x6: {  	s5 =	sor.u32 s4, s5;
	_ =	strace $0x80000047;
	s7 =	sand.u32 $0xC00, s7  }
0x7: {  	s4 =	ssub.s32 $0x2, s4;
	s6 =	sshll.u32 s5, $0xD;
	s5 =	sshll.u32 s5, $0x4  }
0x8: {  	s7 =	sadd.s32 s7, s3;
	s8 =	sshrl.u32 s4, $0x1;
	s5 =	sand.u32 $0x70, s5  }
0x9: {  	s3 =	sadd.s32 s6, s3;
	s30 =	ssub.s32 s4, s8;
	s6 =	simm.s32 $0x1  }
0xa: {  	v1 =	vlaneseq.u32;
	s8 =	simm.s32 $0x4000;
	s31 =	sadd.s32 s5, s7;
	s3 =	sadd.s32 $0x200, s3  }
0xb: {  	v0 =	vimm.f32 $0.0e+00;
	v2 =	vimm.f32 $1.000000000e+00;
	v1 =	vmul.u32 $0x200, v1;
	s5 =	smax.u32 s30, $0x1;
	s7 =	simm.s32 $0x2000;
	s4 =	sadd.s32 $0x40200, s31  }
.LBB2_1:
0xc: {  	s12 =	simm.s32 $0x40;
	s13 =	simm.s32 $0x0  }
.LBB2_2:
0xd: {  	p0 =	sne.s32 s12, $0x7FC0;
	[tilespmem:s13+$0x2000] =	vst v0;
	s14 =	smov.u32 s12;
	s12 =	sadd.s32 $0x40, s12  }
.Ltmp0:
0xe: {  	[tilespmem:s13+$0x4000] =	vst v0;
	(pc) =	sbr.rel @p0 .LBB2_2-.Ltmp0, $2  }
0xf: {  	_ =	sdelay $0x2  }
0x10: {  	s13 =	sshra.s32 s14, $0x2  }
0x11: {  	[tilespmem:s13+$0x2000] =	vst v0  }
0x12: {  	s12 =	simm.s32 $0x0;
	[tilespmem:s13+$0x4000] =	vst v0;
	s13 =	simm.s32 $0x0  }
.LBB2_4:
0x13: {  	s14 =	sshll.u32 s13, $0xA  }
0x14: {  	s14 =	sadd.s32 s14, s3  }
0x15: {  	[tilespmem:s12], [sflag:$0x1] =	stream.linear.gather [hbm4b:s14+s12], $0x2000, $0x38;
	[tilespmem:$0x6400] =	vst v63  }
0x16: {  	_ =	swait.ge [sflag:s6], $0x2000  }
0x17: {  	[sflag:s6] =	ssyncset.done $0x0  }
0x18: {  	s31 =	simm.s32 $0x0;
	[sflag:s6] =	ssyncadd.s32 $0xFFFFE000  }
0x19: {  	s14 =	simm.s32 $0x40;
	v3 =	vld [tilespmem:s31+$0x0]  }
.LBB2_5:
0x1a: {  	p0 =	sne.s32 s14, $0x7FC0;
	_ =	sdelay $0x3  }
0x1b: {  	v4 =	vmin.f32 v3, $3.000000120e-01  }
0x1c: {  	v4 =	vmul.f32 $1.706666630e+03, v4;
	_ =	sdelay $0x1  }
0x1d: {  	v4 =	vtrunc.f32 v4  }
0x1e: {  	v4 =	vcvt.f32.s32 v4;
	_ =	sdelay $0x1  }
0x1f: {  	vm0 =	vgt.s32 v4, $0x0  }
0x20: {  	v4 =	vnsel vm0, $0x0, v4  }
0x21: {  	vm0 =	vle.f32 v3, $3.000000120e-01;
	v4 =	vmin.u32 v4, $0x1FF  }
0x22: {  	v4 =	vor.u32 v1, v4;
	_ =	sdelay $0x2  }
.Ltmp1:
0x23: {  	(pc) =	sbr.rel @p0 .LBB2_5-.Ltmp1, $4  }
0x24: {  	_ = 	snop  }
0x25: {  	[tilespmem:v4+s7+$0x0] =	vst.idx.add.f32.msk vm0, v2  }
0x26: {  	s15 =	sshra.s32 s14, $0x2;
	[tilespmem:v4+s8+$0x0] =	vst.idx.add.f32.msk vm0, v3  }
0x27: {  	s14 =	sadd.s32 $0x40, s14;
	v3 =	vld [tilespmem:s15+$0x0]  }
0x28: {  	_ =	sdelay $0x3  }
0x29: {  	v4 =	vmin.f32 v3, $3.000000120e-01  }
0x2a: {  	v4 =	vmul.f32 $1.706666630e+03, v4;
	_ =	sdelay $0x1  }
0x2b: {  	v4 =	vtrunc.f32 v4  }
0x2c: {  	v4 =	vcvt.f32.s32 v4;
	_ =	sdelay $0x1  }
0x2d: {  	vm0 =	vgt.s32 v4, $0x0  }
0x2e: {  	v4 =	vnsel vm0, $0x0, v4  }
0x2f: {  	vm15 =	vle.f32 v3, $3.000000120e-01;
	v4 =	vmin.u32 v4, $0x1FF  }
0x30: {  	s13 =	sadd.s32 $0x1, s13;
	v4 =	vor.u32 v1, v4  }
0x31: {  	p0 =	sne.s32 s13, $0x8  }
.Ltmp2:
0x32: {  	_ = 	snop;
	(pc) =	sbr.rel @p0 .LBB2_4-.Ltmp2, $3  }
0x33: {  	_ =	sdelay $0x1  }
0x34: {  	[tilespmem:v4+s7+$0x0] =	vst.idx.add.f32.msk vm15, v2  }
0x35: {  	[tilespmem:v4+s8+$0x0] =	vst.idx.add.f32.msk vm15, v3  }
0x36: {  	s12 =	simm.s32 $0x0  }
0x37: {  	v3 =	vld [tilespmem:s12+$0x4000]  }
0x38: {  	v4 =	vld [tilespmem:s12+$0x2000]  }
0x39: {  	v5 =	vld [tilespmem:s12+$0x4200]  }
0x3a: {  	v6 =	vld [tilespmem:s12+$0x2200]  }
0x3b: {  	v7 =	vld [tilespmem:s12+$0x4400]  }
0x3c: {  	v8 =	vld [tilespmem:s12+$0x2400];
	v3 =	vadd.f32 $0.0e+00, v3  }
0x3d: {  	v9 =	vld [tilespmem:s12+$0x4600];
	v4 =	vadd.f32 $0.0e+00, v4  }
0x3e: {  	v3 =	vadd.f32 v5, v3;
	v5 =	vld [tilespmem:s12+$0x2600]  }
0x3f: {  	v10 =	vld [tilespmem:s12+$0x4800];
	v4 =	vadd.f32 v6, v4  }
0x40: {  	v6 =	vld [tilespmem:s12+$0x2800];
	v3 =	vadd.f32 v7, v3  }
0x41: {  	v7 =	vld [tilespmem:s12+$0x4A00];
	v4 =	vadd.f32 v8, v4  }
0x42: {  	v8 =	vld [tilespmem:s12+$0x2A00];
	v3 =	vadd.f32 v9, v3  }
0x43: {  	v9 =	vld [tilespmem:s12+$0x4C00];
	v4 =	vadd.f32 v5, v4  }
0x44: {  	v5 =	vld [tilespmem:s12+$0x2C00];
	v3 =	vadd.f32 v10, v3  }
0x45: {  	v10 =	vld [tilespmem:s12+$0x4E00];
	v4 =	vadd.f32 v6, v4  }
0x46: {  	v6 =	vld [tilespmem:s12+$0x2E00];
	v3 =	vadd.f32 v7, v3  }
0x47: {  	v7 =	vld [tilespmem:s12+$0x5000];
	v4 =	vadd.f32 v8, v4  }
0x48: {  	v8 =	vld [tilespmem:s12+$0x3000];
	v3 =	vadd.f32 v9, v3  }
0x49: {  	v9 =	vld [tilespmem:s12+$0x5200];
	v4 =	vadd.f32 v5, v4  }
0x4a: {  	v5 =	vld [tilespmem:s12+$0x3200];
	v3 =	vadd.f32 v10, v3  }
0x4b: {  	v10 =	vld [tilespmem:s12+$0x5400];
	v4 =	vadd.f32 v6, v4  }
0x4c: {  	v6 =	vld [tilespmem:s12+$0x3400];
	v3 =	vadd.f32 v7, v3  }
0x4d: {  	v7 =	vld [tilespmem:s12+$0x5600];
	v4 =	vadd.f32 v8, v4  }
0x4e: {  	v8 =	vld [tilespmem:s12+$0x3600];
	v3 =	vadd.f32 v9, v3  }
0x4f: {  	v9 =	vld [tilespmem:s12+$0x5800];
	v4 =	vadd.f32 v5, v4  }
0x50: {  	v3 =	vadd.f32 v10, v3;
	v10 =	vld [tilespmem:s12+$0x3800]  }
0x51: {  	v11 =	vld [tilespmem:s12+$0x5A00];
	v5 =	vadd.f32 v6, v4  }
0x52: {  	v6 =	vadd.f32 v7, v3;
	v3 =	vld [tilespmem:s12+$0x3A00]  }
0x53: {  	v4 =	vld [tilespmem:s12+$0x5C00];
	v7 =	vadd.f32 v8, v5  }
0x54: {  	v5 =	vld [tilespmem:s12+$0x3C00];
	v9 =	vadd.f32 v9, v6  }
0x55: {  	v6 =	vld [tilespmem:s12+$0x5E00];
	v8 =	vadd.f32 v10, v7  }
0x56: {  	s13 =	simm.s32 $0x10;
	s14 =	simm.s32 $0x80;
	v7 =	vld [tilespmem:s12+$0x3E00];
	v9 =	vadd.f32 v11, v9  }
.LBB2_8:
0x57: {  	p0 =	sne.s32 s14, $0x7C0;
	v10 =	vld [tilespmem:s13+$0x4000];
	v3 =	vadd.f32 v3, v8  }
0x58: {  	v8 =	vld [tilespmem:s13+$0x2000];
	v4 =	vadd.f32 v4, v9  }
0x59: {  	v9 =	vld [tilespmem:s13+$0x4200];
	v3 =	vadd.f32 v5, v3  }
0x5a: {  	v5 =	vld [tilespmem:s13+$0x2200];
	v4 =	vadd.f32 v6, v4  }
0x5b: {  	v6 =	vld [tilespmem:s13+$0x4400];
	v3 =	vadd.f32 v7, v3  }
0x5c: {  	v7 =	vadd.f32 $0.0e+00, v10;
	v10 =	vld [tilespmem:s13+$0x2400];
	[tilespmem:s12+$0x6200] =	vst v4  }
0x5d: {  	v4 =	vadd.f32 $0.0e+00, v8;
	v8 =	vld [tilespmem:s13+$0x4600];
	[tilespmem:s12+$0x6000] =	vst v3;
	s12 =	smov.u32 s13  }
0x5e: {  	v3 =	vadd.f32 v9, v7;
	v7 =	vld [tilespmem:s12+$0x2600]  }
0x5f: {  	v4 =	vadd.f32 v5, v4;
	v5 =	vld [tilespmem:s12+$0x4800]  }
0x60: {  	v3 =	vadd.f32 v6, v3;
	v6 =	vld [tilespmem:s12+$0x2800]  }
0x61: {  	v4 =	vadd.f32 v10, v4;
	v9 =	vld [tilespmem:s12+$0x4A00]  }
0x62: {  	v3 =	vadd.f32 v8, v3;
	v8 =	vld [tilespmem:s12+$0x2A00]  }
0x63: {  	v4 =	vadd.f32 v7, v4;
	v7 =	vld [tilespmem:s12+$0x4C00]  }
0x64: {  	v3 =	vadd.f32 v5, v3;
	v5 =	vld [tilespmem:s12+$0x2C00]  }
0x65: {  	v4 =	vadd.f32 v6, v4;
	v6 =	vld [tilespmem:s12+$0x4E00]  }
0x66: {  	v3 =	vadd.f32 v9, v3;
	v9 =	vld [tilespmem:s12+$0x2E00]  }
0x67: {  	v4 =	vadd.f32 v8, v4;
	v8 =	vld [tilespmem:s12+$0x5000]  }
0x68: {  	v3 =	vadd.f32 v7, v3;
	v7 =	vld [tilespmem:s12+$0x3000]  }
0x69: {  	v4 =	vadd.f32 v5, v4;
	v5 =	vld [tilespmem:s12+$0x5200]  }
0x6a: {  	v3 =	vadd.f32 v6, v3;
	v6 =	vld [tilespmem:s12+$0x3200]  }
0x6b: {  	v4 =	vadd.f32 v9, v4;
	v9 =	vld [tilespmem:s12+$0x5400]  }
0x6c: {  	v3 =	vadd.f32 v8, v3;
	v8 =	vld [tilespmem:s12+$0x3400]  }
0x6d: {  	v4 =	vadd.f32 v7, v4;
	v7 =	vld [tilespmem:s12+$0x5600]  }
0x6e: {  	v3 =	vadd.f32 v5, v3;
	v5 =	vld [tilespmem:s12+$0x3600]  }
0x6f: {  	v4 =	vadd.f32 v6, v4;
	v6 =	vld [tilespmem:s12+$0x5800]  }
0x70: {  	v3 =	vadd.f32 v9, v3;
	v9 =	vld [tilespmem:s12+$0x3800]  }
0x71: {  	v4 =	vadd.f32 v8, v4;
	v10 =	vld [tilespmem:s12+$0x5A00]  }
.Ltmp3:
0x72: {  	v7 =	vadd.f32 v7, v3;
	v3 =	vld [tilespmem:s12+$0x3A00];
	(pc) =	sbr.rel @p0 .LBB2_8-.Ltmp3, $4  }
0x73: {  	v8 =	vadd.f32 v5, v4;
	v4 =	vld [tilespmem:s12+$0x5C00]  }
0x74: {  	v7 =	vadd.f32 v6, v7;
	v5 =	vld [tilespmem:s12+$0x3C00]  }
0x75: {  	v8 =	vadd.f32 v9, v8;
	v6 =	vld [tilespmem:s12+$0x5E00]  }
0x76: {  	s13 =	sshra.s32 s14, $0x2;
	s14 =	sadd.s32 $0x40, s14;
	v9 =	vadd.f32 v10, v7;
	v7 =	vld [tilespmem:s12+$0x3E00]  }
0x77: {  	v10 =	vld [tilespmem:s13+$0x4000];
	v3 =	vadd.f32 v3, v8  }
0x78: {  	v11 =	vld [tilespmem:s13+$0x2000];
	v4 =	vadd.f32 v4, v9  }
0x79: {  	v31 =	vld [tilespmem:s13+$0x4200];
	v3 =	vadd.f32 v5, v3  }
0x7a: {  	v32 =	vld [tilespmem:s13+$0x2200];
	v4 =	vadd.f32 v6, v4  }
0x7b: {  	v33 =	vld [tilespmem:s13+$0x4400];
	v3 =	vadd.f32 v7, v3  }
0x7c: {  	v34 =	vld [tilespmem:s13+$0x2400];
	[tilespmem:s12+$0x6200] =	vst v4;
	v35 =	vadd.f32 $0.0e+00, v10  }
0x7d: {  	v37 =	vadd.f32 $0.0e+00, v11;
	v36 =	vld [tilespmem:s13+$0x4600];
	[tilespmem:s12+$0x6000] =	vst v3  }
0x7e: {  	v3 =	vadd.f32 v31, v35;
	v38 =	vld [tilespmem:s13+$0x2600]  }
0x7f: {  	v39 =	vadd.f32 v32, v37;
	v40 =	vld [tilespmem:s13+$0x4800]  }
0x80: {  	v41 =	vld [tilespmem:s13+$0x2800];
	v3 =	vadd.f32 v33, v3  }
0x81: {  	v42 =	vld [tilespmem:s13+$0x4A00];
	v6 =	vadd.f32 v34, v39  }
0x82: {  	v43 =	vld [tilespmem:s13+$0x2A00];
	v3 =	vadd.f32 v36, v3  }
0x83: {  	v44 =	vld [tilespmem:s13+$0x4C00];
	v4 =	vadd.f32 v38, v6  }
0x84: {  	v45 =	vld [tilespmem:s13+$0x2C00];
	v3 =	vadd.f32 v40, v3  }
0x85: {  	v46 =	vld [tilespmem:s13+$0x4E00];
	v4 =	vadd.f32 v41, v4  }
0x86: {  	v47 =	vld [tilespmem:s13+$0x2E00];
	v3 =	vadd.f32 v42, v3  }
0x87: {  	v48 =	vld [tilespmem:s13+$0x5000];
	v4 =	vadd.f32 v43, v4  }
0x88: {  	v49 =	vld [tilespmem:s13+$0x3000];
	v3 =	vadd.f32 v44, v3  }
0x89: {  	v50 =	vld [tilespmem:s13+$0x5200];
	v4 =	vadd.f32 v45, v4  }
0x8a: {  	v51 =	vld [tilespmem:s13+$0x3200];
	v3 =	vadd.f32 v46, v3  }
0x8b: {  	v52 =	vld [tilespmem:s13+$0x5400];
	v4 =	vadd.f32 v47, v4  }
0x8c: {  	v53 =	vld [tilespmem:s13+$0x3400];
	v3 =	vadd.f32 v48, v3  }
0x8d: {  	v54 =	vld [tilespmem:s13+$0x5600];
	v4 =	vadd.f32 v49, v4  }
0x8e: {  	v55 =	vld [tilespmem:s13+$0x3600];
	v3 =	vadd.f32 v50, v3  }
0x8f: {  	v56 =	vld [tilespmem:s13+$0x5800];
	v4 =	vadd.f32 v51, v4  }
0x90: {  	v57 =	vld [tilespmem:s13+$0x3800];
	v3 =	vadd.f32 v52, v3  }
0x91: {  	v58 =	vld [tilespmem:s13+$0x5A00];
	v4 =	vadd.f32 v53, v4  }
0x92: {  	v59 =	vld [tilespmem:s13+$0x3A00];
	v3 =	vadd.f32 v54, v3  }
0x93: {  	v60 =	vld [tilespmem:s13+$0x5C00];
	v4 =	vadd.f32 v55, v4  }
0x94: {  	v61 =	vld [tilespmem:s13+$0x3C00];
	v3 =	vadd.f32 v56, v3  }
0x95: {  	v62 =	vld [tilespmem:s13+$0x5E00];
	v4 =	vadd.f32 v57, v4  }
0x96: {  	v63 =	vld [tilespmem:s13+$0x3E00];
	v3 =	vadd.f32 v58, v3  }
0x97: {  	v4 =	vadd.f32 v59, v4  }
0x98: {  	v3 =	vadd.f32 v60, v3  }
0x99: {  	v4 =	vadd.f32 v61, v4  }
0x9a: {  	v3 =	vadd.f32 v62, v3  }
0x9b: {  	s2 =	sadd.s32 $0x1, s2;
	v4 =	vadd.f32 v63, v4  }
0x9c: {  	p0 =	sne.s32 s2, s5;
	[tilespmem:s13+$0x6200] =	vst v3  }
.Ltmp4:
0x9d: {  	[tilespmem:s13+$0x6000] =	vst v4;
	(pc) =	sbr.rel @p0 .LBB2_1-.Ltmp4, $4  }
0x9e: {  	[hbm4b:s4+s9] =	stream.strided.scatter [tilespmem:s11], [sflag:$0x1], $0x400, s10, s9, $0x38;
	[tilespmem:$0x6400] =	vst v63  }
0x9f: {  	_ =	swait.ge [sflag:s6], $0x400  }
0xa0: {  	[sflag:s6] =	ssyncset.done $0x0  }
0xa1: {  	[sflag:s6] =	ssyncadd.s32 $0xFFFFFC00  }
0xa2: {  	_ =	sfence.sel $0x180000  }
0xa3: {  	[bflag:$0x0] =	sbarrier.arrive $0xFFFF  }
0xa4: {  	p0 =	sne.s32 s1, $0x0;
	_ =	strace $0x90000047  }
0xa5: {  	s0 =	sadd.s32 @!p0 $0x100000, s0;
	[bflag:$0x2] =	sbarrier.arrive $0xFFFF  }
0xa6: {  	[sflag:s0] =	ssyncadd.tile.s32 @!p0 $0x1;
	_ =	shalt  }
.Lfunc_end2:
_tile_overlayer_lowered:
.L_overlay_start_2:
0xa7: {  	(tag) =	ssettag $0x2  }
0xa8: {  	s0 =	rddreg [dreg:$0x0];
	s2 =	stileid.u32  }
0xa9: {  	s1 =	rddreg [dreg:$0x1];
	p0 =	sne.s32 s2, $0x0  }
0xaa: {  	s3 =	rddreg [dreg:$0x2];
	[bflag:$0x3] =	sbarrier.arrive $0xFFFF;
	s2 =	simm.s32 @!p0 $0x1C01  }
0xab: {  	[timem:s3], [sflag:s2] =	dma.local @!p0 [hbm:s0], s1  }
0xac: {  	s0 =	simm.s32 @!p0 $0x1  }
0xad: {  	_ =	swait.ge @!p0 [sflag:s0], s1  }
0xae: {  	s1 =	ssub.s32 @!p0 $0x0, s1;
	[sflag:s0] =	ssyncset.done @!p0 $0x0  }
0xaf: {  	[sflag:s0] =	ssyncadd.s32 @!p0 s1  }
0xb0: {  	[bflag:$0x3] =	sbarrier.arrive $0xFFFF  }
0xb1: {  	_ =	shalt  }

</sc_bundles>
